<compile_context>
chip_gen: v7x
topology: tpu7x:2x2x1
jax: 0.10.2.dev20260603
libtpu: 0.0.44.dev20260713+nightly
codegen_flags: <defaults>
</compile_context>

<pallas_src>
import jax
import jax.numpy as jnp
from jax import lax
from jax.experimental import pallas as pl
from jax.experimental.pallas import tpu as pltpu
from jax.experimental.pallas import tpu_sc as plsc

B = 4096
IN = 2048
H1 = 512
H2 = 256
P = 16
K = 128
D = 64

BLK = 512
GRID = B // BLK

TABW = 256
NC = 2
NS = 16
NW = NC * NS
BPW = B // NW


def _sc_gather_body(tab_hbm, idx_hbm, out_hbm, idx_v, rows_v, sem):
    wid = lax.axis_index("s") * NC + lax.axis_index("c")
    base = wid * BPW
    pltpu.sync_copy(idx_hbm.at[pl.ds(base, BPW)], idx_v)
    pltpu.async_copy(tab_hbm.at[idx_v], rows_v, sem).wait()
    pltpu.sync_copy(rows_v, out_hbm.at[pl.ds(base, BPW)])


def _route_gather(tab, drug_indices):
    mesh = plsc.VectorSubcoreMesh(core_axis_name="c", subcore_axis_name="s")
    return pl.kernel(
        _sc_gather_body,
        mesh=mesh,
        out_type=jax.ShapeDtypeStruct((B, TABW), jnp.float32),
        scratch_types=[
            pltpu.VMEM((BPW,), jnp.int32),
            pltpu.VMEM((BPW, TABW), jnp.float32),
            pltpu.SemaphoreType.DMA,
        ],
    )(tab, drug_indices)


def _fused_body(x_ref, w1_ref, b1_ref, w2_ref, b2_ref, wpf_ref,
                bpf_ref, g_ref, out_ref):
    x = x_ref[...].astype(jnp.bfloat16)
    h = jnp.maximum(jnp.dot(x, w1_ref[...].astype(jnp.bfloat16),
                            preferred_element_type=jnp.float32)
                    + b1_ref[0, :], 0.0)
    h = jnp.maximum(jnp.dot(h.astype(jnp.bfloat16),
                            w2_ref[...].astype(jnp.bfloat16),
                            preferred_element_type=jnp.float32)
                    + b2_ref[0, :], 0.0)
    a = jnp.maximum(jnp.dot(h.astype(jnp.bfloat16),
                            wpf_ref[...].astype(jnp.bfloat16),
                            preferred_element_type=jnp.float32)
                    + bpf_ref[0, :], 0.0)

    g = g_ref[...]
    wdg = g[:, :K]
    bdg = g[:, K]
    pwf = g[:, K + 1]

    sel = a[:, :K]
    for p in range(1, P):
        sel = jnp.where((pwf == float(p))[:, None],
                        a[:, p * K:(p + 1) * K], sel)
    out_ref[0, 0, :] = jnp.sum(sel * wdg, axis=1) + bdg


def kernel(x, drug_indices, drug_to_pw, W1, b1, W2, b2, Wp, bp, Wd, bd):
    wpf = Wp.transpose(1, 0, 2).reshape(H2, P * K)
    bpf = bp.reshape(1, P * K)
    tab = jnp.concatenate(
        [Wd, bd[:, None], drug_to_pw.astype(jnp.float32)[:, None],
         jnp.zeros((D, TABW - K - 2), jnp.float32)], axis=1)

    g = _route_gather(tab, drug_indices)

    out = pl.pallas_call(
        _fused_body,
        grid=(GRID,),
        in_specs=[
            pl.BlockSpec((BLK, IN), lambda i: (i, 0)),
            pl.BlockSpec((IN, H1), lambda i: (0, 0)),
            pl.BlockSpec((1, H1), lambda i: (0, 0)),
            pl.BlockSpec((H1, H2), lambda i: (0, 0)),
            pl.BlockSpec((1, H2), lambda i: (0, 0)),
            pl.BlockSpec((H2, P * K), lambda i: (0, 0)),
            pl.BlockSpec((1, P * K), lambda i: (0, 0)),
            pl.BlockSpec((BLK, TABW), lambda i: (i, 0)),
        ],
        out_specs=pl.BlockSpec((1, 1, BLK), lambda i: (i, 0, 0)),
        out_shape=jax.ShapeDtypeStruct((GRID, 1, BLK), jnp.float32),
    )(x, W1, b1.reshape(1, H1), W2, b2.reshape(1, H2), wpf, bpf, g)
    return out.reshape(B)

# --- scband reference (transcript-rebuilt; emitter-appended) ---
"""Pipeline reference for scband-prismmulti-task-nn-69758858821908 (READ-ONLY COPY).

The authoritative reference and input builder live on the scoring server;
editing this copy changes nothing except your own understanding.
"""

import jax, jax.numpy as jnp
import numpy as np

B = 4096
IN = 2048
P = 16
D = 64

def setup_inputs(seed: int = 0) -> dict:
    key = jax.random.key(seed)
    ks = jax.random.split(key, 12)
    x = jax.random.normal(ks[0], (B, IN), dtype=jnp.float32)
    drug_indices = jax.random.randint(ks[1], (B,), 0, D).astype(jnp.int32)
    # drug i maps to pathway i % P (matches drug_to_pathway init kwarg)
    drug_to_pw = (jnp.arange(D, dtype=jnp.int32) % P)
    W1 = jax.random.normal(ks[2], (IN, 512), dtype=jnp.float32) * (1.0 / np.sqrt(IN))
    b1 = jnp.zeros((512,), dtype=jnp.float32)
    W2 = jax.random.normal(ks[3], (512, 256), dtype=jnp.float32) * (1.0 / np.sqrt(512))
    b2 = jnp.zeros((256,), dtype=jnp.float32)
    Wp = jax.random.normal(ks[4], (P, 256, 128), dtype=jnp.float32) * (1.0 / np.sqrt(256))
    bp = jnp.zeros((P, 128), dtype=jnp.float32)
    Wd = jax.random.normal(ks[5], (D, 128), dtype=jnp.float32) * (1.0 / np.sqrt(128))
    bd = jnp.zeros((D,), dtype=jnp.float32)
    return {"x": x, "drug_indices": drug_indices, "drug_to_pw": drug_to_pw,
            "W1": W1, "b1": b1, "W2": W2, "b2": b2,
            "Wp": Wp, "bp": bp, "Wd": Wd, "bd": bd}

def reference(x, drug_indices, drug_to_pw, W1, b1, W2, b2, Wp, bp, Wd, bd):
    # Shared encoder (dropout is identity in eval mode)
    h = jax.nn.relu(x @ W1 + b1)
    h = jax.nn.relu(h @ W2 + b2)
    # Pathway routing: mathematically equivalent to grouping samples by
    # pathway and running each group through its pathway head; here we
    # compute all pathway heads then gather the routed one per sample.
    all_pw = jax.nn.relu(jnp.einsum('bd,pdk->bpk', h, Wp) + bp[None, :, :])
    pw_idx = drug_to_pw[drug_indices]
    pw_out = jnp.take_along_axis(all_pw, pw_idx[:, None, None], axis=1)[:, 0, :]
    # Per-drug output heads: gather each sample's drug head weights
    out = jnp.sum(pw_out * Wd[drug_indices], axis=-1) + bd[drug_indices]
    return out

if __name__ == "__main__":
    import jax
    _d = setup_inputs()
    print(jax.jit(kernel)(*tuple(_d.values())))

</pallas_src>

<mosaic_0001>
#map = affine_map<(d0, d1) -> (0, 0)>
#map1 = affine_map<(d0, d1) -> (0)>
module attributes {stable_mosaic.version = 14 : i64} {
  func.func @_sc_gather_body(%arg0: i32, %arg1: i32, %arg2: memref<64x256xf32, #tpu.memory_space<hbm>>, %arg3: memref<4096xi32, #tpu.memory_space<hbm>>, %arg4: memref<4096x256xf32, #tpu.memory_space<hbm>>, %arg5: memref<128xi32, #tpu.memory_space<vmem>>, %arg6: memref<128x256xf32, #tpu.memory_space<vmem>>, %arg7: memref<!tpu.dma_semaphore, #tpu.memory_space<semaphore_mem>>) attributes {dimension_semantics = [#tpu.dimension_semantics<core_parallel>, #tpu.dimension_semantics<subcore_parallel>], iteration_bounds = array<i64: 2, 16>, scalar_prefetch = 0 : i64, scratch_operands = 3 : i64, tpu.core_type = #tpu.core_type<sc_vector_subcore>, window_params = [{transform_indices = #map}, {transform_indices = #map1}, {transform_indices = #map}]} {
    %mul3A = arith.constant 2 : i32
    %mul3A_0 = arith.muli %arg1, %mul3A : i32
    %add3A = arith.addi %mul3A_0, %arg0 : i32
    %mul3A_1 = arith.constant 128 : i32
    %mul3A_2 = arith.muli %add3A, %mul3A_1 : i32
    "tpu.region"() ({
      %run_scoped3A = tpu.sem_alloc : memref<!tpu.dma_semaphore, #tpu.memory_space<semaphore_mem>>
      %dma_start3A_7 = tpu.memref_slice %arg3[%mul3A_2] : memref<4096xi32, #tpu.memory_space<hbm>> -> memref<128xi32, #tpu.memory_space<hbm>>
      %dma_start3A_8 = tpu.memref_slice %arg3[%mul3A_2] : memref<4096xi32, #tpu.memory_space<hbm>> -> memref<128xi32, #tpu.memory_space<hbm>>
      tpu.enqueue_dma source(%dma_start3A_8 : memref<128xi32, #tpu.memory_space<hbm>>) target(%arg5 : memref<128xi32, #tpu.memory_space<vmem>>) target_semaphore(%run_scoped3A : memref<!tpu.dma_semaphore, #tpu.memory_space<semaphore_mem>>)
      %dma_wait3A_9 = tpu.memref_slice %arg3[%mul3A_2] : memref<4096xi32, #tpu.memory_space<hbm>> -> memref<128xi32, #tpu.memory_space<hbm>>
      %dma_wait3A_10 = tpu.memref_slice %arg3[%mul3A_2] : memref<4096xi32, #tpu.memory_space<hbm>> -> memref<128xi32, #tpu.memory_space<hbm>>
      tpu.wait_dma2 semaphore(%run_scoped3A : memref<!tpu.dma_semaphore, #tpu.memory_space<semaphore_mem>>) src(%dma_wait3A_10 : memref<128xi32, #tpu.memory_space<hbm>>) dst(%arg5 : memref<128xi32, #tpu.memory_space<vmem>>)
      tpu.yield
    }) : () -> ()
    %dma_start3A = arith.constant 0 : i32
    %dma_start3A_3 = arith.constant 0 : i32
    %dma_start3A_4 = tpu.memref_slice %arg2[%dma_start3A, %dma_start3A_3] : memref<64x256xf32, #tpu.memory_space<hbm>> -> memref<64x256xf32, #tpu.memory_space<hbm>>
    tpu.enqueue_indirect_dma source(%dma_start3A_4 : memref<64x256xf32, #tpu.memory_space<hbm>>) target(%arg6 : memref<128x256xf32, #tpu.memory_space<vmem>>) offsets(%arg5 : memref<128xi32, #tpu.memory_space<vmem>>) semaphore(%arg7 : memref<!tpu.dma_semaphore, #tpu.memory_space<semaphore_mem>>)
    %dma_wait3A = arith.constant 0 : i32
    %dma_wait3A_5 = arith.constant 0 : i32
    %dma_wait3A_6 = tpu.memref_slice %arg2[%dma_wait3A, %dma_wait3A_5] : memref<64x256xf32, #tpu.memory_space<hbm>> -> memref<64x256xf32, #tpu.memory_space<hbm>>
    tpu.wait_indirect_dma semaphore(%arg7 : memref<!tpu.dma_semaphore, #tpu.memory_space<semaphore_mem>>) src(%dma_wait3A_6 : memref<64x256xf32, #tpu.memory_space<hbm>>) dst(%arg6 : memref<128x256xf32, #tpu.memory_space<vmem>>)
    "tpu.region"() ({
      %run_scoped3A = tpu.sem_alloc : memref<!tpu.dma_semaphore, #tpu.memory_space<semaphore_mem>>
      %dma_start3A_7 = arith.constant 0 : i32
      %dma_start3A_8 = tpu.memref_slice %arg4[%mul3A_2, %dma_start3A_7] : memref<4096x256xf32, #tpu.memory_space<hbm>> -> memref<128x256xf32, #tpu.memory_space<hbm>>
      %dma_start3A_9 = arith.constant 0 : i32
      %dma_start3A_10 = tpu.memref_slice %arg4[%mul3A_2, %dma_start3A_9] : memref<4096x256xf32, #tpu.memory_space<hbm>> -> memref<128x256xf32, #tpu.memory_space<hbm>>
      tpu.enqueue_dma source(%arg6 : memref<128x256xf32, #tpu.memory_space<vmem>>) target(%dma_start3A_10 : memref<128x256xf32, #tpu.memory_space<hbm>>) target_semaphore(%run_scoped3A : memref<!tpu.dma_semaphore, #tpu.memory_space<semaphore_mem>>)
      %dma_wait3A_11 = arith.constant 0 : i32
      %dma_wait3A_12 = tpu.memref_slice %arg4[%mul3A_2, %dma_wait3A_11] : memref<4096x256xf32, #tpu.memory_space<hbm>> -> memref<128x256xf32, #tpu.memory_space<hbm>>
      %dma_wait3A_13 = arith.constant 0 : i32
      %dma_wait3A_14 = tpu.memref_slice %arg4[%mul3A_2, %dma_wait3A_13] : memref<4096x256xf32, #tpu.memory_space<hbm>> -> memref<128x256xf32, #tpu.memory_space<hbm>>
      tpu.wait_dma2 semaphore(%run_scoped3A : memref<!tpu.dma_semaphore, #tpu.memory_space<semaphore_mem>>) src(%arg6 : memref<128x256xf32, #tpu.memory_space<vmem>>) dst(%dma_wait3A_14 : memref<128x256xf32, #tpu.memory_space<hbm>>)
      tpu.yield
    }) : () -> ()
    return
  }
}

module attributes {stable_mosaic.version = 14 : i64} {
  func.func @_fused_body(%arg0: i32, %arg1: memref<512x2048xf32, #tpu.memory_space<vmem>>, %arg2: memref<2048x512xf32, #tpu.memory_space<vmem>>, %arg3: memref<1x512xf32, #tpu.memory_space<vmem>>, %arg4: memref<512x256xf32, #tpu.memory_space<vmem>>, %arg5: memref<1x256xf32, #tpu.memory_space<vmem>>, %arg6: memref<256x2048xf32, #tpu.memory_space<vmem>>, %arg7: memref<1x2048xf32, #tpu.memory_space<vmem>>, %arg8: memref<512x256xf32, #tpu.memory_space<vmem>>, %arg9: memref<1x1x512xf32, #tpu.memory_space<vmem>>) attributes {dimension_semantics = [#tpu.dimension_semantics<arbitrary>], iteration_bounds = array<i64: 8>, scalar_prefetch = 0 : i64, scratch_operands = 0 : i64, tpu.core_type = #tpu.core_type<tc>, window_params = [{transform_indices = @transform_0, window_bounds = array<i64: 512, 2048>}, {pipeline_mode = #tpu.pipeline_mode<synchronous>, transform_indices = @transform_1, window_bounds = array<i64: 2048, 512>}, {pipeline_mode = #tpu.pipeline_mode<synchronous>, transform_indices = @transform_2, window_bounds = array<i64: 1, 512>}, {pipeline_mode = #tpu.pipeline_mode<synchronous>, transform_indices = @transform_3, window_bounds = array<i64: 512, 256>}, {pipeline_mode = #tpu.pipeline_mode<synchronous>, transform_indices = @transform_4, window_bounds = array<i64: 1, 256>}, {pipeline_mode = #tpu.pipeline_mode<synchronous>, transform_indices = @transform_5, window_bounds = array<i64: 256, 2048>}, {pipeline_mode = #tpu.pipeline_mode<synchronous>, transform_indices = @transform_6, window_bounds = array<i64: 1, 2048>}, {transform_indices = @transform_7, window_bounds = array<i64: 512, 256>}, {transform_indices = @transform_8, window_bounds = array<i64: 1, 1, 512>}]} {
    %get3A = arith.constant 0 : index
    %get3A_0 = arith.constant 0 : index
    %get3A_1 = vector.load %arg1[%get3A, %get3A_0] : memref<512x2048xf32, #tpu.memory_space<vmem>>, vector<512x2048xf32>
    %convert_element_type3A = arith.truncf %get3A_1 : vector<512x2048xf32> to vector<512x2048xbf16>
    %get3A_2 = arith.constant 0 : index
    %get3A_3 = arith.constant 0 : index
    %get3A_4 = vector.load %arg2[%get3A_2, %get3A_3] : memref<2048x512xf32, #tpu.memory_space<vmem>>, vector<2048x512xf32>
    %convert_element_type3A_5 = arith.truncf %get3A_4 : vector<2048x512xf32> to vector<2048x512xbf16>
    %dot_general3A = arith.constant dense<0.000000e+00> : vector<512x512xf32>
    %dot_general3A_6 = tpu.matmul %convert_element_type3A, %convert_element_type3A_5, %dot_general3A {dimension_numbers = #tpu.dot_dimension_numbers<[1], [0], [0], [1], [0, 0, 1, 1], [], []>, transpose_lhs_hint = false} : vector<512x2048xbf16>, vector<2048x512xbf16>, vector<512x512xf32> -> vector<512x512xf32>
    %get3A_7 = arith.constant 0 : index
    %get3A_8 = arith.constant 0 : index
    %get3A_9 = vector.load %arg3[%get3A_7, %get3A_8] : memref<1x512xf32, #tpu.memory_space<vmem>>, vector<1x512xf32>
    %get3A_10 = vector.shape_cast %get3A_9 : vector<1x512xf32> to vector<512xf32>
    %broadcast_in_dim3A = vector.shape_cast %get3A_10 : vector<512xf32> to vector<1x512xf32>
    %add3A = vector.broadcast %broadcast_in_dim3A : vector<1x512xf32> to vector<512x512xf32>
    %add3A_11 = arith.addf %dot_general3A_6, %add3A : vector<512x512xf32>
    %max3A = arith.constant 0.000000e+00 : f32
    %max3A_12 = vector.broadcast %max3A : f32 to vector<512x512xf32>
    %max3A_13 = arith.maximumf %add3A_11, %max3A_12 : vector<512x512xf32>
    %convert_element_type3A_14 = arith.truncf %max3A_13 : vector<512x512xf32> to vector<512x512xbf16>
    %get3A_15 = arith.constant 0 : index
    %get3A_16 = arith.constant 0 : index
    %get3A_17 = vector.load %arg4[%get3A_15, %get3A_16] : memref<512x256xf32, #tpu.memory_space<vmem>>, vector<512x256xf32>
    %convert_element_type3A_18 = arith.truncf %get3A_17 : vector<512x256xf32> to vector<512x256xbf16>
    %dot_general3A_19 = arith.constant dense<0.000000e+00> : vector<512x256xf32>
    %dot_general3A_20 = tpu.matmul %convert_element_type3A_14, %convert_element_type3A_18, %dot_general3A_19 {dimension_numbers = #tpu.dot_dimension_numbers<[1], [0], [0], [1], [0, 0, 1, 1], [], []>, transpose_lhs_hint = false} : vector<512x512xbf16>, vector<512x256xbf16>, vector<512x256xf32> -> vector<512x256xf32>
    %get3A_21 = arith.constant 0 : index
    %get3A_22 = arith.constant 0 : index
    %get3A_23 = vector.load %arg5[%get3A_21, %get3A_22] : memref<1x256xf32, #tpu.memory_space<vmem>>, vector<1x256xf32>
    %get3A_24 = vector.shape_cast %get3A_23 : vector<1x256xf32> to vector<256xf32>
    %broadcast_in_dim3A_25 = vector.shape_cast %get3A_24 : vector<256xf32> to vector<1x256xf32>
    %add3A_26 = vector.broadcast %broadcast_in_dim3A_25 : vector<1x256xf32> to vector<512x256xf32>
    %add3A_27 = arith.addf %dot_general3A_20, %add3A_26 : vector<512x256xf32>
    %max3A_28 = arith.constant 0.000000e+00 : f32
    %max3A_29 = vector.broadcast %max3A_28 : f32 to vector<512x256xf32>
    %max3A_30 = arith.maximumf %add3A_27, %max3A_29 : vector<512x256xf32>
    %convert_element_type3A_31 = arith.truncf %max3A_30 : vector<512x256xf32> to vector<512x256xbf16>
    %get3A_32 = arith.constant 0 : index
    %get3A_33 = arith.constant 0 : index
    %get3A_34 = vector.load %arg6[%get3A_32, %get3A_33] : memref<256x2048xf32, #tpu.memory_space<vmem>>, vector<256x2048xf32>
    %convert_element_type3A_35 = arith.truncf %get3A_34 : vector<256x2048xf32> to vector<256x2048xbf16>
    %dot_general3A_36 = arith.constant dense<0.000000e+00> : vector<512x2048xf32>
    %dot_general3A_37 = tpu.matmul %convert_element_type3A_31, %convert_element_type3A_35, %dot_general3A_36 {dimension_numbers = #tpu.dot_dimension_numbers<[1], [0], [0], [1], [0, 0, 1, 1], [], []>, transpose_lhs_hint = false} : vector<512x256xbf16>, vector<256x2048xbf16>, vector<512x2048xf32> -> vector<512x2048xf32>
    %get3A_38 = arith.constant 0 : index
    %get3A_39 = arith.constant 0 : index
    %get3A_40 = vector.load %arg7[%get3A_38, %get3A_39] : memref<1x2048xf32, #tpu.memory_space<vmem>>, vector<1x2048xf32>
    %get3A_41 = vector.shape_cast %get3A_40 : vector<1x2048xf32> to vector<2048xf32>
    %broadcast_in_dim3A_42 = vector.shape_cast %get3A_41 : vector<2048xf32> to vector<1x2048xf32>
    %add3A_43 = vector.broadcast %broadcast_in_dim3A_42 : vector<1x2048xf32> to vector<512x2048xf32>
    %add3A_44 = arith.addf %dot_general3A_37, %add3A_43 : vector<512x2048xf32>
    %max3A_45 = arith.constant 0.000000e+00 : f32
    %max3A_46 = vector.broadcast %max3A_45 : f32 to vector<512x2048xf32>
    %max3A_47 = arith.maximumf %add3A_44, %max3A_46 : vector<512x2048xf32>
    %get3A_48 = arith.constant 0 : index
    %get3A_49 = arith.constant 0 : index
    %get3A_50 = vector.load %arg8[%get3A_48, %get3A_49] : memref<512x256xf32, #tpu.memory_space<vmem>>, vector<512x256xf32>
    %slice3A = vector.extract_strided_slice %get3A_50 {offsets = [0, 0], sizes = [512, 128], strides = [1, 1]} : vector<512x256xf32> to vector<512x128xf32>
    %slice3A_51 = vector.extract_strided_slice %get3A_50 {offsets = [0, 128], sizes = [512, 1], strides = [1, 1]} : vector<512x256xf32> to vector<512x1xf32>
    %squeeze3A = vector.shape_cast %slice3A_51 : vector<512x1xf32> to vector<512xf32>
    %slice3A_52 = vector.extract_strided_slice %get3A_50 {offsets = [0, 129], sizes = [512, 1], strides = [1, 1]} : vector<512x256xf32> to vector<512x1xf32>
    %squeeze3A_53 = vector.shape_cast %slice3A_52 : vector<512x1xf32> to vector<512xf32>
    %slice3A_54 = vector.extract_strided_slice %max3A_47 {offsets = [0, 0], sizes = [512, 128], strides = [1, 1]} : vector<512x2048xf32> to vector<512x128xf32>
    %eq3A = arith.constant 1.000000e+00 : f32
    %eq3A_55 = vector.broadcast %eq3A : f32 to vector<512xf32>
    %eq3A_56 = arith.cmpf oeq, %squeeze3A_53, %eq3A_55 : vector<512xf32>
    %broadcast_in_dim3A_57 = vector.shape_cast %eq3A_56 : vector<512xi1> to vector<512x1xi1>
    %slice3A_58 = vector.extract_strided_slice %max3A_47 {offsets = [0, 128], sizes = [512, 128], strides = [1, 1]} : vector<512x2048xf32> to vector<512x128xf32>
    %broadcast_in_dim3A_59 = vector.shape_cast %broadcast_in_dim3A_57 : vector<512x1xi1> to vector<512x1xi1>
    %broadcast_in_dim3A_60 = vector.broadcast %broadcast_in_dim3A_59 : vector<512x1xi1> to vector<512x128xi1>
    %select_n3A = arith.select %broadcast_in_dim3A_60, %slice3A_58, %slice3A_54 : vector<512x128xi1>, vector<512x128xf32>
    %eq3A_61 = arith.constant 2.000000e+00 : f32
    %eq3A_62 = vector.broadcast %eq3A_61 : f32 to vector<512xf32>
    %eq3A_63 = arith.cmpf oeq, %squeeze3A_53, %eq3A_62 : vector<512xf32>
    %broadcast_in_dim3A_64 = vector.shape_cast %eq3A_63 : vector<512xi1> to vector<512x1xi1>
    %slice3A_65 = vector.extract_strided_slice %max3A_47 {offsets = [0, 256], sizes = [512, 128], strides = [1, 1]} : vector<512x2048xf32> to vector<512x128xf32>
    %broadcast_in_dim3A_66 = vector.shape_cast %broadcast_in_dim3A_64 : vector<512x1xi1> to vector<512x1xi1>
    %broadcast_in_dim3A_67 = vector.broadcast %broadcast_in_dim3A_66 : vector<512x1xi1> to vector<512x128xi1>
    %select_n3A_68 = arith.select %broadcast_in_dim3A_67, %slice3A_65, %select_n3A : vector<512x128xi1>, vector<512x128xf32>
    %eq3A_69 = arith.constant 3.000000e+00 : f32
    %eq3A_70 = vector.broadcast %eq3A_69 : f32 to vector<512xf32>
    %eq3A_71 = arith.cmpf oeq, %squeeze3A_53, %eq3A_70 : vector<512xf32>
    %broadcast_in_dim3A_72 = vector.shape_cast %eq3A_71 : vector<512xi1> to vector<512x1xi1>
    %slice3A_73 = vector.extract_strided_slice %max3A_47 {offsets = [0, 384], sizes = [512, 128], strides = [1, 1]} : vector<512x2048xf32> to vector<512x128xf32>
    %broadcast_in_dim3A_74 = vector.shape_cast %broadcast_in_dim3A_72 : vector<512x1xi1> to vector<512x1xi1>
    %broadcast_in_dim3A_75 = vector.broadcast %broadcast_in_dim3A_74 : vector<512x1xi1> to vector<512x128xi1>
    %select_n3A_76 = arith.select %broadcast_in_dim3A_75, %slice3A_73, %select_n3A_68 : vector<512x128xi1>, vector<512x128xf32>
    %eq3A_77 = arith.constant 4.000000e+00 : f32
    %eq3A_78 = vector.broadcast %eq3A_77 : f32 to vector<512xf32>
    %eq3A_79 = arith.cmpf oeq, %squeeze3A_53, %eq3A_78 : vector<512xf32>
    %broadcast_in_dim3A_80 = vector.shape_cast %eq3A_79 : vector<512xi1> to vector<512x1xi1>
    %slice3A_81 = vector.extract_strided_slice %max3A_47 {offsets = [0, 512], sizes = [512, 128], strides = [1, 1]} : vector<512x2048xf32> to vector<512x128xf32>
    %broadcast_in_dim3A_82 = vector.shape_cast %broadcast_in_dim3A_80 : vector<512x1xi1> to vector<512x1xi1>
    %broadcast_in_dim3A_83 = vector.broadcast %broadcast_in_dim3A_82 : vector<512x1xi1> to vector<512x128xi1>
    %select_n3A_84 = arith.select %broadcast_in_dim3A_83, %slice3A_81, %select_n3A_76 : vector<512x128xi1>, vector<512x128xf32>
    %eq3A_85 = arith.constant 5.000000e+00 : f32
    %eq3A_86 = vector.broadcast %eq3A_85 : f32 to vector<512xf32>
    %eq3A_87 = arith.cmpf oeq, %squeeze3A_53, %eq3A_86 : vector<512xf32>
    %broadcast_in_dim3A_88 = vector.shape_cast %eq3A_87 : vector<512xi1> to vector<512x1xi1>
    %slice3A_89 = vector.extract_strided_slice %max3A_47 {offsets = [0, 640], sizes = [512, 128], strides = [1, 1]} : vector<512x2048xf32> to vector<512x128xf32>
    %broadcast_in_dim3A_90 = vector.shape_cast %broadcast_in_dim3A_88 : vector<512x1xi1> to vector<512x1xi1>
    %broadcast_in_dim3A_91 = vector.broadcast %broadcast_in_dim3A_90 : vector<512x1xi1> to vector<512x128xi1>
    %select_n3A_92 = arith.select %broadcast_in_dim3A_91, %slice3A_89, %select_n3A_84 : vector<512x128xi1>, vector<512x128xf32>
    %eq3A_93 = arith.constant 6.000000e+00 : f32
    %eq3A_94 = vector.broadcast %eq3A_93 : f32 to vector<512xf32>
    %eq3A_95 = arith.cmpf oeq, %squeeze3A_53, %eq3A_94 : vector<512xf32>
    %broadcast_in_dim3A_96 = vector.shape_cast %eq3A_95 : vector<512xi1> to vector<512x1xi1>
    %slice3A_97 = vector.extract_strided_slice %max3A_47 {offsets = [0, 768], sizes = [512, 128], strides = [1, 1]} : vector<512x2048xf32> to vector<512x128xf32>
    %broadcast_in_dim3A_98 = vector.shape_cast %broadcast_in_dim3A_96 : vector<512x1xi1> to vector<512x1xi1>
    %broadcast_in_dim3A_99 = vector.broadcast %broadcast_in_dim3A_98 : vector<512x1xi1> to vector<512x128xi1>
    %select_n3A_100 = arith.select %broadcast_in_dim3A_99, %slice3A_97, %select_n3A_92 : vector<512x128xi1>, vector<512x128xf32>
    %eq3A_101 = arith.constant 7.000000e+00 : f32
    %eq3A_102 = vector.broadcast %eq3A_101 : f32 to vector<512xf32>
    %eq3A_103 = arith.cmpf oeq, %squeeze3A_53, %eq3A_102 : vector<512xf32>
    %broadcast_in_dim3A_104 = vector.shape_cast %eq3A_103 : vector<512xi1> to vector<512x1xi1>
    %slice3A_105 = vector.extract_strided_slice %max3A_47 {offsets = [0, 896], sizes = [512, 128], strides = [1, 1]} : vector<512x2048xf32> to vector<512x128xf32>
    %broadcast_in_dim3A_106 = vector.shape_cast %broadcast_in_dim3A_104 : vector<512x1xi1> to vector<512x1xi1>
    %broadcast_in_dim3A_107 = vector.broadcast %broadcast_in_dim3A_106 : vector<512x1xi1> to vector<512x128xi1>
    %select_n3A_108 = arith.select %broadcast_in_dim3A_107, %slice3A_105, %select_n3A_100 : vector<512x128xi1>, vector<512x128xf32>
    %eq3A_109 = arith.constant 8.000000e+00 : f32
    %eq3A_110 = vector.broadcast %eq3A_109 : f32 to vector<512xf32>
    %eq3A_111 = arith.cmpf oeq, %squeeze3A_53, %eq3A_110 : vector<512xf32>
    %broadcast_in_dim3A_112 = vector.shape_cast %eq3A_111 : vector<512xi1> to vector<512x1xi1>
    %slice3A_113 = vector.extract_strided_slice %max3A_47 {offsets = [0, 1024], sizes = [512, 128], strides = [1, 1]} : vector<512x2048xf32> to vector<512x128xf32>
    %broadcast_in_dim3A_114 = vector.shape_cast %broadcast_in_dim3A_112 : vector<512x1xi1> to vector<512x1xi1>
    %broadcast_in_dim3A_115 = vector.broadcast %broadcast_in_dim3A_114 : vector<512x1xi1> to vector<512x128xi1>
    %select_n3A_116 = arith.select %broadcast_in_dim3A_115, %slice3A_113, %select_n3A_108 : vector<512x128xi1>, vector<512x128xf32>
    %eq3A_117 = arith.constant 9.000000e+00 : f32
    %eq3A_118 = vector.broadcast %eq3A_117 : f32 to vector<512xf32>
    %eq3A_119 = arith.cmpf oeq, %squeeze3A_53, %eq3A_118 : vector<512xf32>
    %broadcast_in_dim3A_120 = vector.shape_cast %eq3A_119 : vector<512xi1> to vector<512x1xi1>
    %slice3A_121 = vector.extract_strided_slice %max3A_47 {offsets = [0, 1152], sizes = [512, 128], strides = [1, 1]} : vector<512x2048xf32> to vector<512x128xf32>
    %broadcast_in_dim3A_122 = vector.shape_cast %broadcast_in_dim3A_120 : vector<512x1xi1> to vector<512x1xi1>
    %broadcast_in_dim3A_123 = vector.broadcast %broadcast_in_dim3A_122 : vector<512x1xi1> to vector<512x128xi1>
    %select_n3A_124 = arith.select %broadcast_in_dim3A_123, %slice3A_121, %select_n3A_116 : vector<512x128xi1>, vector<512x128xf32>
    %eq3A_125 = arith.constant 1.000000e+01 : f32
    %eq3A_126 = vector.broadcast %eq3A_125 : f32 to vector<512xf32>
    %eq3A_127 = arith.cmpf oeq, %squeeze3A_53, %eq3A_126 : vector<512xf32>
    %broadcast_in_dim3A_128 = vector.shape_cast %eq3A_127 : vector<512xi1> to vector<512x1xi1>
    %slice3A_129 = vector.extract_strided_slice %max3A_47 {offsets = [0, 1280], sizes = [512, 128], strides = [1, 1]} : vector<512x2048xf32> to vector<512x128xf32>
    %broadcast_in_dim3A_130 = vector.shape_cast %broadcast_in_dim3A_128 : vector<512x1xi1> to vector<512x1xi1>
    %broadcast_in_dim3A_131 = vector.broadcast %broadcast_in_dim3A_130 : vector<512x1xi1> to vector<512x128xi1>
    %select_n3A_132 = arith.select %broadcast_in_dim3A_131, %slice3A_129, %select_n3A_124 : vector<512x128xi1>, vector<512x128xf32>
    %eq3A_133 = arith.constant 1.100000e+01 : f32
    %eq3A_134 = vector.broadcast %eq3A_133 : f32 to vector<512xf32>
    %eq3A_135 = arith.cmpf oeq, %squeeze3A_53, %eq3A_134 : vector<512xf32>
    %broadcast_in_dim3A_136 = vector.shape_cast %eq3A_135 : vector<512xi1> to vector<512x1xi1>
    %slice3A_137 = vector.extract_strided_slice %max3A_47 {offsets = [0, 1408], sizes = [512, 128], strides = [1, 1]} : vector<512x2048xf32> to vector<512x128xf32>
    %broadcast_in_dim3A_138 = vector.shape_cast %broadcast_in_dim3A_136 : vector<512x1xi1> to vector<512x1xi1>
    %broadcast_in_dim3A_139 = vector.broadcast %broadcast_in_dim3A_138 : vector<512x1xi1> to vector<512x128xi1>
    %select_n3A_140 = arith.select %broadcast_in_dim3A_139, %slice3A_137, %select_n3A_132 : vector<512x128xi1>, vector<512x128xf32>
    %eq3A_141 = arith.constant 1.200000e+01 : f32
    %eq3A_142 = vector.broadcast %eq3A_141 : f32 to vector<512xf32>
    %eq3A_143 = arith.cmpf oeq, %squeeze3A_53, %eq3A_142 : vector<512xf32>
    %broadcast_in_dim3A_144 = vector.shape_cast %eq3A_143 : vector<512xi1> to vector<512x1xi1>
    %slice3A_145 = vector.extract_strided_slice %max3A_47 {offsets = [0, 1536], sizes = [512, 128], strides = [1, 1]} : vector<512x2048xf32> to vector<512x128xf32>
    %broadcast_in_dim3A_146 = vector.shape_cast %broadcast_in_dim3A_144 : vector<512x1xi1> to vector<512x1xi1>
    %broadcast_in_dim3A_147 = vector.broadcast %broadcast_in_dim3A_146 : vector<512x1xi1> to vector<512x128xi1>
    %select_n3A_148 = arith.select %broadcast_in_dim3A_147, %slice3A_145, %select_n3A_140 : vector<512x128xi1>, vector<512x128xf32>
    %eq3A_149 = arith.constant 1.300000e+01 : f32
    %eq3A_150 = vector.broadcast %eq3A_149 : f32 to vector<512xf32>
    %eq3A_151 = arith.cmpf oeq, %squeeze3A_53, %eq3A_150 : vector<512xf32>
    %broadcast_in_dim3A_152 = vector.shape_cast %eq3A_151 : vector<512xi1> to vector<512x1xi1>
    %slice3A_153 = vector.extract_strided_slice %max3A_47 {offsets = [0, 1664], sizes = [512, 128], strides = [1, 1]} : vector<512x2048xf32> to vector<512x128xf32>
    %broadcast_in_dim3A_154 = vector.shape_cast %broadcast_in_dim3A_152 : vector<512x1xi1> to vector<512x1xi1>
    %broadcast_in_dim3A_155 = vector.broadcast %broadcast_in_dim3A_154 : vector<512x1xi1> to vector<512x128xi1>
    %select_n3A_156 = arith.select %broadcast_in_dim3A_155, %slice3A_153, %select_n3A_148 : vector<512x128xi1>, vector<512x128xf32>
    %eq3A_157 = arith.constant 1.400000e+01 : f32
    %eq3A_158 = vector.broadcast %eq3A_157 : f32 to vector<512xf32>
    %eq3A_159 = arith.cmpf oeq, %squeeze3A_53, %eq3A_158 : vector<512xf32>
    %broadcast_in_dim3A_160 = vector.shape_cast %eq3A_159 : vector<512xi1> to vector<512x1xi1>
    %slice3A_161 = vector.extract_strided_slice %max3A_47 {offsets = [0, 1792], sizes = [512, 128], strides = [1, 1]} : vector<512x2048xf32> to vector<512x128xf32>
    %broadcast_in_dim3A_162 = vector.shape_cast %broadcast_in_dim3A_160 : vector<512x1xi1> to vector<512x1xi1>
    %broadcast_in_dim3A_163 = vector.broadcast %broadcast_in_dim3A_162 : vector<512x1xi1> to vector<512x128xi1>
    %select_n3A_164 = arith.select %broadcast_in_dim3A_163, %slice3A_161, %select_n3A_156 : vector<512x128xi1>, vector<512x128xf32>
    %eq3A_165 = arith.constant 1.500000e+01 : f32
    %eq3A_166 = vector.broadcast %eq3A_165 : f32 to vector<512xf32>
    %eq3A_167 = arith.cmpf oeq, %squeeze3A_53, %eq3A_166 : vector<512xf32>
    %broadcast_in_dim3A_168 = vector.shape_cast %eq3A_167 : vector<512xi1> to vector<512x1xi1>
    %slice3A_169 = vector.extract_strided_slice %max3A_47 {offsets = [0, 1920], sizes = [512, 128], strides = [1, 1]} : vector<512x2048xf32> to vector<512x128xf32>
    %broadcast_in_dim3A_170 = vector.shape_cast %broadcast_in_dim3A_168 : vector<512x1xi1> to vector<512x1xi1>
    %broadcast_in_dim3A_171 = vector.broadcast %broadcast_in_dim3A_170 : vector<512x1xi1> to vector<512x128xi1>
    %select_n3A_172 = arith.select %broadcast_in_dim3A_171, %slice3A_169, %select_n3A_164 : vector<512x128xi1>, vector<512x128xf32>
    %mul3A = arith.mulf %select_n3A_172, %slice3A : vector<512x128xf32>
    %reduce_sum3A = arith.constant dense<0.000000e+00> : vector<512xf32>
    %reduce_sum3A_173 = vector.multi_reduction <add>, %mul3A, %reduce_sum3A [1] : vector<512x128xf32> to vector<512xf32>
    %add3A_174 = arith.addf %reduce_sum3A_173, %squeeze3A : vector<512xf32>
    %swap3A = arith.constant 0 : index
    %swap3A_175 = arith.constant 0 : index
    %swap3A_176 = arith.constant 0 : index
    %swap3A_177 = vector.load %arg9[%swap3A, %swap3A_175, %swap3A_176] : memref<1x1x512xf32, #tpu.memory_space<vmem>>, vector<1x1x512xf32>
    %swap3A_178 = vector.shape_cast %swap3A_177 : vector<1x1x512xf32> to vector<512xf32>
    %swap3A_179 = vector.shape_cast %add3A_174 : vector<512xf32> to vector<1x1x512xf32>
    tpu.vector_store %arg9[%swap3A, %swap3A_175, %swap3A_176], %swap3A_179 {strides = array<i32>} : memref<1x1x512xf32, #tpu.memory_space<vmem>>, vector<1x1x512xf32>,
    return
  }
  func.func @transform_0(%arg0: i32) -> (i32, i32) {
    %c0_i32 = arith.constant 0 : i32
    %c0_i32_0 = arith.constant 0 : i32
    return %arg0, %c0_i32 : i32, i32
  }
  func.func @transform_1(%arg0: i32) -> (i32, i32) {
    %c0_i32 = arith.constant 0 : i32
    %c0_i32_0 = arith.constant 0 : i32
    %c0_i32_1 = arith.constant 0 : i32
    return %c0_i32, %c0_i32_0 : i32, i32
  }
  func.func @transform_2(%arg0: i32) -> (i32, i32) {
    %c0_i32 = arith.constant 0 : i32
    %c0_i32_0 = arith.constant 0 : i32
    %c0_i32_1 = arith.constant 0 : i32
    return %c0_i32, %c0_i32_0 : i32, i32
  }
  func.func @transform_3(%arg0: i32) -> (i32, i32) {
    %c0_i32 = arith.constant 0 : i32
    %c0_i32_0 = arith.constant 0 : i32
    %c0_i32_1 = arith.constant 0 : i32
    return %c0_i32, %c0_i32_0 : i32, i32
  }
  func.func @transform_4(%arg0: i32) -> (i32, i32) {
    %c0_i32 = arith.constant 0 : i32
    %c0_i32_0 = arith.constant 0 : i32
    %c0_i32_1 = arith.constant 0 : i32
    return %c0_i32, %c0_i32_0 : i32, i32
  }
  func.func @transform_5(%arg0: i32) -> (i32, i32) {
    %c0_i32 = arith.constant 0 : i32
    %c0_i32_0 = arith.constant 0 : i32
    %c0_i32_1 = arith.constant 0 : i32
    return %c0_i32, %c0_i32_0 : i32, i32
  }
  func.func @transform_6(%arg0: i32) -> (i32, i32) {
    %c0_i32 = arith.constant 0 : i32
    %c0_i32_0 = arith.constant 0 : i32
    %c0_i32_1 = arith.constant 0 : i32
    return %c0_i32, %c0_i32_0 : i32, i32
  }
  func.func @transform_7(%arg0: i32) -> (i32, i32) {
    %c0_i32 = arith.constant 0 : i32
    %c0_i32_0 = arith.constant 0 : i32
    return %arg0, %c0_i32 : i32, i32
  }
  func.func @transform_8(%arg0: i32) -> (i32, i32, i32) {
    %c0_i32 = arith.constant 0 : i32
    %c0_i32_0 = arith.constant 0 : i32
    %c0_i32_1 = arith.constant 0 : i32
    return %arg0, %c0_i32, %c0_i32_0 : i32, i32, i32
  }
}

</mosaic_0001>

<sc_bundles>
// kernel: kernel.4.cloned.1.call-start
scs
__scs_entry_jumppad:
0x0: {  	(pc) =	sbr.rel $0x88, $3  }
0x1: {  	(tag) =	ssettag $0x0;
	lr =	simm.s32 $0x1  }
0x2: {  	[smem:$0x3F96] =	sst lr;
	_ =	strace $0xD0000000  }
0x3: {  	_ = 	snop  }
0x4: {  	_ = 	snop  }
0x5: {  	_ = 	snop  }
0x6: {  	_ = 	snop  }
0x7: {  	_ = 	snop  }
__scs_overlays_trampoline_lowered:
0x8: {  	[smem:$0x3FA5] =	sst s0  }
0x9: {  	[smem:$0x3FA6] =	sst s1  }
0xa: {  	[smem:$0x3FA7] =	sst s2  }
0xb: {  	[smem:$0x3FA8] =	sst s3  }
0xc: {  	[smem:$0x3FA9] =	sst s4  }
0xd: {  	[smem:$0x3FAA] =	sst s5  }
0xe: {  	[smem:$0x3FAB] =	sst s6  }
0xf: {  	[smem:$0x3FAC] =	sst s7  }
0x10: {  	[smem:$0x3FAD] =	sst s8  }
0x11: {  	[smem:$0x3FAE] =	sst s9;
	s0 =	simm.s32 @!p0 $0x0  }
0x12: {  	s1 =	sld [smem:$0x3F94];
	s0 =	simm.s32 @p0 $0x1  }
0x13: {  	[smem:$0x3FAF] =	sst s0;
	s0 =	simm.s32 @!p1 $0x0  }
0x14: {  	s2 =	sld [smem:$0x3F93];
	s0 =	simm.s32 @p1 $0x1  }
0x15: {  	[smem:$0x3FB0] =	sst s0;
	s0 =	simm.s32 @!p2 $0x0  }
0x16: {  	s3 =	sld [smem:$0x3FDB];
	s0 =	simm.s32 @p2 $0x1  }
0x17: {  	s4 =	simm.s32 $0x1BF5;
	[smem:$0x3FB2] =	sst s0  }
0x18: {  	s0 =	sld [smem:$0x3F95];
	_ =	swait.ge [sflag:s4], $0x0  }
0x19: {  	s7 =	sld [smem:$0x3F96]  }
0x1a: {  	s8 =	sadd.s32 $0xFFFFE003, lr  }
0x1b: {  	s9 =	sadd.s32 $0xFFFFFEF7, lr;
	s5 =	simm.s32 $0xFFFFFFFF;
	p2 =	slt.u32 s8, $0xFFFFF086  }
0x1c: {  	p1 =	slt.u32 s9, $0xF7A;
	s5 =	simm.s32 @!p2 $0x0  }
0x1d: {  	s5 =	simm.s32 @p1 $0x1;
	p0 =	seq.s32 s7, s2  }
0x1e: {  	s7 =	smul.u32 @!p0 $0xF7A, s2;
	p2 =	seq.s32 @!p0 s5, $0x0  }
0x1f: {  	s9 =	smul.u32 $0xF7A, s1;
	s8 =	simm.s32 @!p0 $0x1BF5;
	p2 =	por !p2, p0  }
0x20: {  	[sflag:s8] =	ssyncset.s32 @!p0 $0xFFFFF086;
	s6 =	sadd.s32 @!p0 s3, s7;
	s7 =	simm.s32 @!p0 $0x108  }
0x21: {  	s3 =	sadd.s32 s3, s9;
	s6 =	sadd.s32 @!p0 $0x88, s6;
	s7 =	simm.s32 @p2 $0x1082  }
0x22: {  	[simem:s7], [sflag:s8] =	dma.local @!p0 [hbm:s6], $0xF7A  }
0x23: {  	s9 =	sor.u32 $0xD0000000, s2;
	s6 =	simm.s32 $0x108;
	_ =	swait.ge @!p0 [sflag:s8], $0x0  }
0x24: {  	s3 =	sadd.s32 $0x88, s3;
	s6 =	simm.s32 @!p1 $0x1082;
	[sflag:s4] =	ssyncset.s32 $0xFFFFF086  }
0x25: {  	[simem:s6], [sflag:s4] =	dma.local [hbm:s3], $0xF7A  }
0x26: {  	[smem:$0x3F96] =	sst s1;
	(tag) =	ssettag s2;
	_ =	strace s9  }
0x27: {  	s1 =	sld [smem:$0x3FA6]  }
0x28: {  	s2 =	sld [smem:$0x3FA7]  }
0x29: {  	s4 =	sld [smem:$0x3FA9]  }
0x2a: {  	p0 =	seq.s32 s5, $0x0;
	s5 =	sld [smem:$0x3FAA]  }
0x2b: {  	s6 =	sld [smem:$0x3FAB]  }
0x2c: {  	s7 =	sld [smem:$0x3FAC]  }
0x2d: {  	s3 =	simm.s32 $0x108;
	s8 =	sld [smem:$0x3FAD]  }
0x2e: {  	s3 =	simm.s32 @!p0 $0x1082;
	s9 =	sld [smem:$0x3FAE]  }
0x2f: {  	lr =	sadd.s32 s0, s3;
	s0 =	sld [smem:$0x3FA5]  }
0x30: {  	s3 =	sld [smem:$0x3FA8]  }
0x31: {  	[smem:$0x3FB1] =	sst s10  }
0x32: {  	s10 =	sld [smem:$0x3FAF];
	_ =	sdelay $0x3  }
0x33: {  	p0 =	seq.s32 s10, $0x1;
	s10 =	sld [smem:$0x3FB1];
	_ =	sdelay $0x3  }
0x34: {  	[smem:$0x3FB1] =	sst s10  }
0x35: {  	s10 =	sld [smem:$0x3FB0];
	_ =	sdelay $0x3  }
0x36: {  	p1 =	seq.s32 s10, $0x1;
	s10 =	sld [smem:$0x3FB1];
	_ =	sdelay $0x3  }
0x37: {  	[smem:$0x3FB1] =	sst s10  }
0x38: {  	s10 =	sld [smem:$0x3FB2]  }
0x39: {  	_ = 	snop;
	(pc) =	sbr.ind lr, $3  }
0x3a: {  	_ = 	snop  }
0x3b: {  	_ = 	snop  }
0x3c: {  	p2 =	seq.s32 s10, $0x1;
	s10 =	sld [smem:$0x3FB1]  }
0x3d: {  	_ =	shalt  }
0x3e: {  	_ =	shalt  }
0x3f: {  	_ =	shalt  }
0x40: {  	_ =	shalt  }
0x41: {  	_ =	shalt  }
0x42: {  	_ =	shalt  }
0x43: {  	_ =	shalt  }
0x44: {  	_ =	shalt  }
0x45: {  	_ =	shalt  }
0x46: {  	_ =	shalt  }
0x47: {  	_ =	shalt  }
0x48: {  	_ =	shalt  }
0x49: {  	_ =	shalt  }
0x4a: {  	_ =	shalt  }
0x4b: {  	_ =	shalt  }
0x4c: {  	_ =	shalt  }
0x4d: {  	_ =	shalt  }
0x4e: {  	_ =	shalt  }
0x4f: {  	_ =	shalt  }
0x50: {  	_ =	shalt  }
0x51: {  	_ =	shalt  }
0x52: {  	_ =	shalt  }
0x53: {  	_ =	shalt  }
0x54: {  	_ =	shalt  }
0x55: {  	_ =	shalt  }
0x56: {  	_ =	shalt  }
0x57: {  	_ =	shalt  }
0x58: {  	_ =	shalt  }
0x59: {  	_ =	shalt  }
0x5a: {  	_ =	shalt  }
0x5b: {  	_ =	shalt  }
0x5c: {  	_ =	shalt  }
0x5d: {  	_ =	shalt  }
0x5e: {  	_ =	shalt  }
0x5f: {  	_ =	shalt  }
0x60: {  	_ =	shalt  }
0x61: {  	_ =	shalt  }
0x62: {  	_ =	shalt  }
0x63: {  	_ =	shalt  }
0x64: {  	_ =	shalt  }
0x65: {  	_ =	shalt  }
0x66: {  	_ =	shalt  }
0x67: {  	_ =	shalt  }
0x68: {  	_ =	shalt  }
0x69: {  	_ =	shalt  }
0x6a: {  	_ =	shalt  }
0x6b: {  	_ =	shalt  }
0x6c: {  	_ =	shalt  }
0x6d: {  	_ =	shalt  }
0x6e: {  	_ =	shalt  }
0x6f: {  	_ =	shalt  }
0x70: {  	_ =	shalt  }
0x71: {  	_ =	shalt  }
0x72: {  	_ =	shalt  }
0x73: {  	_ =	shalt  }
0x74: {  	_ =	shalt  }
0x75: {  	_ =	shalt  }
0x76: {  	_ =	shalt  }
0x77: {  	_ =	shalt  }
0x78: {  	_ =	shalt  }
0x79: {  	_ =	shalt  }
0x7a: {  	_ =	shalt  }
0x7b: {  	_ =	shalt  }
0x7c: {  	_ =	shalt  }
0x7d: {  	_ =	shalt  }
0x7e: {  	_ =	shalt  }
0x7f: {  	_ =	shalt  }
0x80: {  	_ =	shalt  }
0x81: {  	_ =	shalt  }
0x82: {  	_ =	shalt  }
0x83: {  	_ =	shalt  }
0x84: {  	_ =	shalt  }
0x85: {  	_ =	shalt  }
0x86: {  	_ =	shalt  }
0x87: {  	_ =	shalt  }
.Lfunc_end0:
.L_simem_size_0:
called_computation_lowered:
.L_overlay_start_0:
0x88: {  	s2 =	sld [smem:$0x3FD9]  }
0x89: {  	s3 =	sld [smem:$0x3FFE];
	_ =	sdelay $0x1  }
0x8a: {  	s1 =	srdreg.scid  }
0x8b: {  	s0 =	sand.u32 $0x1, s1  }
0x8c: {  	s17 =	sshll.u32 s0, $0xA;
	s2 =	sadd.s32 s3, s2  }
0x8d: {  	s2 =	sadd.s32 s2, s17  }
0x8e: {  	[smem:$0x3FBD] =	sst s2  }
0x8f: {  	_ = 	snop  }
0x90: {  	s2 =	sld [smem:$0x3FC8];
	(tm) =	ssettm $0x1  }
0x91: {  	s18 =	sld [smem:$0x3FFB];
	_ =	sdelay $0x3  }
0x92: {  	_ =	strace s18  }
0x93: {  	s3 =	sld [smem:$0x3FFC];
	_ =	sdelay $0x3  }
0x94: {  	_ =	strace s3  }
0x95: {  	s3 =	sld [smem:$0x3FFD];
	_ =	sdelay $0x3  }
0x96: {  	_ =	strace s3  }
0x97: {  	_ =	strace $0x8FFFFFFF  }
0x98: {  	s19 =	sld [smem:$0x3FDB];
	_ =	sdelay $0x1  }
0x99: {  	s4 =	simm.s32 $_scs_section_size  }
0x9a: {  	s5 =	simm.s32 $_size__tile_overlayer_lowered;
	s6 =	simm.s32 $_tile_overlayer_lowered  }
0x9b: {  	s22 =	simm.s32 $0x1BFF;
	s21 =	sshll.u32 s6, $0x1;
	s3 =	sadd.s32 s4, s19  }
0x9c: {  	s7 =	simm.s32 $0x0;
	s20 =	sshll.u32 s5, $0x1;
	s5 =	sadd.s32 s21, s3  }
0x9d: {  	[timem:s7], [sflag:s22] =	dma.local [hbm:s5], s20  }
0x9e: {  	_ =	swait.ge [sflag:s22], s20  }
0x9f: {  	s4 =	ssub.s32 $0x0, s20;
	[sflag:s22] =	ssyncset.done $0x0  }
0xa0: {  	[sflag:s22] =	ssyncadd.s32 s4;
	_ =	sdelay $0x1  }
0xa1: {  	s23 =	simm.s32 $0x1B8B  }
0xa2: {  	_ =	swait.ge [sflag:s23], $0x1  }
0xa3: {  	[sflag:s23] =	ssyncset.done $0x0  }
0xa4: {  	s25 =	simm.s32 $0x1B8E;
	s24 =	sld [smem:$0x3FFE];
	[sflag:s23] =	ssyncadd.s32 $0xFFFFFFFF  }
0xa5: {  	s26 =	simm.s32 $execute0_lowered;
	[smem:$0x3FD2] =	sst s25  }
0xa6: {  	s5 =	sshll.u32 s26, $0x1;
	_ =	strace $0x80000046;
	[dreg:$0x1] =	wrdreg $0xFFFFFFFF  }
0xa7: {  	s28 =	simm.s32 $_size_execute0_lowered;
	s3 =	sadd.s32 s3, s5;
	[dreg:$0x0] =	wrdreg $0x0  }
0xa8: {  	s5 =	sshll.u32 s28, $0x1;
	[dreg:$0x2] =	wrdreg s3  }
0xa9: {  	[dreg:$0x3] =	wrdreg s5  }
0xaa: {  	[dreg:$0x4] =	wrdreg $0xC0  }
0xab: {  	_ =	task [dreg:s7], $0x5FFFF  }
0xac: {  	[dreg:$0x1] =	wrdreg $0xFFFFFFFF  }
0xad: {  	[dreg:$0x0] =	wrdreg $0x60  }
0xae: {  	[dreg:$0x2] =	wrdreg s24  }
0xaf: {  	[dreg:$0x3] =	wrdreg s2  }
0xb0: {  	[dreg:$0x4] =	wrdreg $0x9  }
0xb1: {  	_ =	task.clear_ibuf [dreg:s7], $0x5FFFF;
	_ =	strace $0x90000046  }
0xb2: {  	s29 =	simm.s32 $0x9;
	_ =	strace $0x80000048  }
0xb3: {  	_ =	swait.ge [sflag:s29], $0x1  }
0xb4: {  	[sflag:s29] =	ssyncadd.s32 $0xFFFFFFFF  }
0xb5: {  	_ =	strace $0x90000048  }
0xb6: {  	_ =	sfence  }
0xb7: {  	s30 =	sld [smem:$0x0];
	_ =	sdelay $0x2  }
0xb8: {  	s31 =	sshll.u32 s1, $0xD;
	s1 =	sshrl.u32 s1, $0x2  }
0xb9: {  	s3 =	sand.u32 $0x4000, s31;
	s1 =	sadd.s32 s1, s30  }
0xba: {  	s0 =	sor.u32 s3, s0;
	s1 =	sshll.u32 s1, $0x11  }
0xbb: {  	s0 =	sor.u32 s1, s0  }
0xbc: {  	s0 =	sadd.s32 $0x8F2B, s0  }
0xbd: {  	[sflag:s0] =	ssyncadd.remote.s32 $0x1  }
0xbe: {  	_ =	sfence.sel $0xFFFF  }
0xbf: {  	[dreg:$0x0] =	wrdreg $0xFFFFFFFF;
	(pc) =	sbr.abs _section_cstart, $3  }
0xc0: {  	[dreg:$0x1] =	wrdreg $0xFFFFFFFF  }
0xc1: {  	_ =	task.clear_ibuf [dreg:s7], $0x2FFFF;
	_ =	strace $0x9FFFFFFF  }
0xc2: {  	(tm) =	ssettm $0x7FFFFFFF  }
0xc3: {  	_ =	shalt  }
tec
execute0_lowered:
.L_overlay_start_1:
0x0: {  	(tag) =	ssettag $0x1  }
0x1: {  	s4 =	rddreg [dreg:$0x0]  }
0x2: {  	s5 =	rddreg [dreg:$0x1]  }
0x3: {  	s0 =	rddreg [dreg:$0x2];
	s3 =	srdreg.scid  }
0x4: {  	s2 =	simm.s32 $0x0;
	s1 =	stileid.u32;
	s10 =	simm.s32 $0x1080  }
0x5: {  	s11 =	simm.s32 $0x1880;
	s12 =	simm.s32 $0x2080;
	s13 =	simm.s32 $0x2880  }
0x6: {  	s14 =	simm.s32 $0x3080;
	s15 =	simm.s32 $0x3880;
	s16 =	simm.s32 $0x4080  }
0x7: {  	s17 =	simm.s32 $0x4880;
	s18 =	simm.s32 $0x5080;
	s19 =	simm.s32 $0x5880  }
0x8: {  	s20 =	simm.s32 $0x6080;
	s21 =	simm.s32 $0x6880;
	s22 =	simm.s32 $0x7080  }
0x9: {  	s23 =	simm.s32 $0x7880;
	s24 =	simm.s32 $0x1;
	s3 =	sand.u32 $0x1, s3  }
0xa: {  	[smem:$0x7FF] =	sst s2;
	s6 =	sshll.u32 s1, $0x8;
	s7 =	sshll.u32 s3, $0x7  }
0xb: {  	_ =	strace $0x80000047;
	s30 =	ssub.s32 $0x2, s3;
	s6 =	sor.u32 s7, s6  }
0xc: {  	s3 =	sadd.s32 $0x1200, s4;
	s9 =	sshrl.u32 s30, $0x1;
	s8 =	sshll.u32 s6, $0x5  }
0xd: {  	v2 =	vlaneseq.u32;
	s7 =	ssub.s32 s30, s9;
	s31 =	sshrl.u32 s6, $0x3;
	s9 =	simm.s32 $0x880  }
0xe: {  	vm0 =	vmmov $0xffff;
	v1 =	vshrl.u32 v2, $0x3;
	s8 =	sadd.s32 s8, s4;
	s4 =	sadd.s32 s5, s31;
	s6 =	smax.u32 s7, $0x1  }
0xf: {  	v0 =	vand.u32 $0x7, v2;
	v2 =	vor.u32 $0x8, v2;
	v1 =	vmul.u32 $0x8, v1;
	s7 =	simm.s32 $0x2;
	s5 =	sadd.s32 $0x1A00, s8;
	s8 =	simm.s32 $0x80  }
.LBB2_1:
0x10: {  	[tilespmem:s2], [sflag:$0x2] =	stream.linear.gather [hbm4b:s4+s2], $0x80, $0x38;
	[tilespmem:$0x8080] =	vst v63  }
0x11: {  	_ =	swait.ge [sflag:s7], $0x80  }
0x12: {  	[sflag:s7] =	ssyncset.done $0x0  }
0x13: {  	[sflag:s7] =	ssyncadd.s32 $0xFFFFFF80  }
0x14: {  	v3 =	vld [tilespmem:$0x0];
	_ =	sdelay $0x4  }
0x15: {  	v4 =	vshll.u32 v3, $0x1  }
0x16: {  	v3 =	vand.u32 $0x7, v3;
	v4 =	vand.u32 $0xFFFFFFF0, v4  }
0x17: {  	v3 =	vor.u32 v3, v4  }
0x18: {  	v4 =	vperm.xlane v3, v0;
	_ =	sdelay $0x1  }
0x19: {  	v3 =	vperm.xlane v3, v2;
	v4 =	vadd.s32 v1, v4;
	_ =	sdelay $0x1  }
0x1a: {  	v3 =	vadd.s32 v1, v3;
	_ =	sdelay $0x2  }
0x1b: {  	[tilespmem:s8], [sflag:$0x1] =	stream.indirect_vreg.gather [hbm4b:s3+s2], $0x80, v4, vm0, $0xb8;
	[tilespmem:$0x8080] =	vst v63  }
0x1c: {  	_ = 	snop  }
0x1d: {  	[tilespmem:s9], [sflag:$0x1] =	stream.indirect_vreg.gather [hbm4b:s3+s2], $0x80, v3, vm0, $0xb8;
	[tilespmem:$0x8080] =	vst v63  }
0x1e: {  	v3 =	vld [tilespmem:$0x10];
	_ =	sdelay $0x4  }
0x1f: {  	v57 =	vshll.u32 v3, $0x1  }
0x20: {  	v3 =	vand.u32 $0x7, v3;
	v4 =	vand.u32 $0xFFFFFFF0, v57  }
0x21: {  	v3 =	vor.u32 v3, v4  }
0x22: {  	v4 =	vperm.xlane v3, v0;
	_ =	sdelay $0x1  }
0x23: {  	v3 =	vperm.xlane v3, v2;
	v4 =	vadd.s32 v1, v4;
	_ =	sdelay $0x1  }
0x24: {  	v3 =	vadd.s32 v1, v3;
	_ =	sdelay $0x2  }
0x25: {  	[tilespmem:s10], [sflag:$0x1] =	stream.indirect_vreg.gather [hbm4b:s3+s2], $0x80, v4, vm0, $0xb8;
	[tilespmem:$0x8080] =	vst v63  }
0x26: {  	_ = 	snop  }
0x27: {  	[tilespmem:s11], [sflag:$0x1] =	stream.indirect_vreg.gather [hbm4b:s3+s2], $0x80, v3, vm0, $0xb8;
	[tilespmem:$0x8080] =	vst v63  }
0x28: {  	v3 =	vld [tilespmem:$0x20];
	_ =	sdelay $0x4  }
0x29: {  	v58 =	vshll.u32 v3, $0x1  }
0x2a: {  	v3 =	vand.u32 $0x7, v3;
	v4 =	vand.u32 $0xFFFFFFF0, v58  }
0x2b: {  	v3 =	vor.u32 v3, v4  }
0x2c: {  	v4 =	vperm.xlane v3, v0;
	_ =	sdelay $0x1  }
0x2d: {  	v3 =	vperm.xlane v3, v2;
	v4 =	vadd.s32 v1, v4;
	_ =	sdelay $0x1  }
0x2e: {  	v3 =	vadd.s32 v1, v3;
	_ =	sdelay $0x2  }
0x2f: {  	[tilespmem:s12], [sflag:$0x1] =	stream.indirect_vreg.gather [hbm4b:s3+s2], $0x80, v4, vm0, $0xb8;
	[tilespmem:$0x8080] =	vst v63  }
0x30: {  	_ = 	snop  }
0x31: {  	[tilespmem:s13], [sflag:$0x1] =	stream.indirect_vreg.gather [hbm4b:s3+s2], $0x80, v3, vm0, $0xb8;
	[tilespmem:$0x8080] =	vst v63  }
0x32: {  	v3 =	vld [tilespmem:$0x30];
	_ =	sdelay $0x4  }
0x33: {  	v59 =	vshll.u32 v3, $0x1  }
0x34: {  	v3 =	vand.u32 $0x7, v3;
	v4 =	vand.u32 $0xFFFFFFF0, v59  }
0x35: {  	v3 =	vor.u32 v3, v4  }
0x36: {  	v4 =	vperm.xlane v3, v0;
	_ =	sdelay $0x1  }
0x37: {  	v3 =	vperm.xlane v3, v2;
	v4 =	vadd.s32 v1, v4;
	_ =	sdelay $0x1  }
0x38: {  	v3 =	vadd.s32 v1, v3;
	_ =	sdelay $0x2  }
0x39: {  	[tilespmem:s14], [sflag:$0x1] =	stream.indirect_vreg.gather [hbm4b:s3+s2], $0x80, v4, vm0, $0xb8;
	[tilespmem:$0x8080] =	vst v63  }
0x3a: {  	_ = 	snop  }
0x3b: {  	[tilespmem:s15], [sflag:$0x1] =	stream.indirect_vreg.gather [hbm4b:s3+s2], $0x80, v3, vm0, $0xb8;
	[tilespmem:$0x8080] =	vst v63  }
0x3c: {  	v3 =	vld [tilespmem:$0x40];
	_ =	sdelay $0x4  }
0x3d: {  	v60 =	vshll.u32 v3, $0x1  }
0x3e: {  	v3 =	vand.u32 $0x7, v3;
	v4 =	vand.u32 $0xFFFFFFF0, v60  }
0x3f: {  	v3 =	vor.u32 v3, v4  }
0x40: {  	v4 =	vperm.xlane v3, v0;
	_ =	sdelay $0x1  }
0x41: {  	v3 =	vperm.xlane v3, v2;
	v4 =	vadd.s32 v1, v4;
	_ =	sdelay $0x1  }
0x42: {  	v3 =	vadd.s32 v1, v3;
	_ =	sdelay $0x2  }
0x43: {  	[tilespmem:s16], [sflag:$0x1] =	stream.indirect_vreg.gather [hbm4b:s3+s2], $0x80, v4, vm0, $0xb8;
	[tilespmem:$0x8080] =	vst v63  }
0x44: {  	_ = 	snop  }
0x45: {  	[tilespmem:s17], [sflag:$0x1] =	stream.indirect_vreg.gather [hbm4b:s3+s2], $0x80, v3, vm0, $0xb8;
	[tilespmem:$0x8080] =	vst v63  }
0x46: {  	v3 =	vld [tilespmem:$0x50];
	_ =	sdelay $0x4  }
0x47: {  	v61 =	vshll.u32 v3, $0x1  }
0x48: {  	v3 =	vand.u32 $0x7, v3;
	v4 =	vand.u32 $0xFFFFFFF0, v61  }
0x49: {  	v3 =	vor.u32 v3, v4  }
0x4a: {  	v4 =	vperm.xlane v3, v0;
	_ =	sdelay $0x1  }
0x4b: {  	v3 =	vperm.xlane v3, v2;
	v4 =	vadd.s32 v1, v4;
	_ =	sdelay $0x1  }
0x4c: {  	v3 =	vadd.s32 v1, v3;
	_ =	sdelay $0x2  }
0x4d: {  	[tilespmem:s18], [sflag:$0x1] =	stream.indirect_vreg.gather [hbm4b:s3+s2], $0x80, v4, vm0, $0xb8;
	[tilespmem:$0x8080] =	vst v63  }
0x4e: {  	_ = 	snop  }
0x4f: {  	[tilespmem:s19], [sflag:$0x1] =	stream.indirect_vreg.gather [hbm4b:s3+s2], $0x80, v3, vm0, $0xb8;
	[tilespmem:$0x8080] =	vst v63  }
0x50: {  	v3 =	vld [tilespmem:$0x60];
	_ =	sdelay $0x4  }
0x51: {  	v62 =	vshll.u32 v3, $0x1  }
0x52: {  	v3 =	vand.u32 $0x7, v3;
	v4 =	vand.u32 $0xFFFFFFF0, v62  }
0x53: {  	v3 =	vor.u32 v3, v4  }
0x54: {  	v4 =	vperm.xlane v3, v0;
	_ =	sdelay $0x1  }
0x55: {  	v3 =	vperm.xlane v3, v2;
	v4 =	vadd.s32 v1, v4;
	_ =	sdelay $0x1  }
0x56: {  	v3 =	vadd.s32 v1, v3;
	_ =	sdelay $0x2  }
0x57: {  	[tilespmem:s20], [sflag:$0x1] =	stream.indirect_vreg.gather [hbm4b:s3+s2], $0x80, v4, vm0, $0xb8;
	[tilespmem:$0x8080] =	vst v63  }
0x58: {  	_ = 	snop  }
0x59: {  	[tilespmem:s21], [sflag:$0x1] =	stream.indirect_vreg.gather [hbm4b:s3+s2], $0x80, v3, vm0, $0xb8;
	[tilespmem:$0x8080] =	vst v63  }
0x5a: {  	v3 =	vld [tilespmem:$0x70];
	_ =	sdelay $0x4  }
0x5b: {  	v63 =	vshll.u32 v3, $0x1  }
0x5c: {  	v3 =	vand.u32 $0x7, v3;
	v4 =	vand.u32 $0xFFFFFFF0, v63  }
0x5d: {  	v3 =	vor.u32 v3, v4  }
0x5e: {  	v4 =	vperm.xlane v3, v0;
	_ =	sdelay $0x1  }
0x5f: {  	v3 =	vperm.xlane v3, v2;
	v4 =	vadd.s32 v1, v4;
	_ =	sdelay $0x1  }
0x60: {  	v3 =	vadd.s32 v1, v3;
	_ =	sdelay $0x2  }
0x61: {  	[tilespmem:s22], [sflag:$0x1] =	stream.indirect_vreg.gather [hbm4b:s3+s2], $0x80, v4, vm0, $0xb8;
	[tilespmem:$0x8080] =	vst v63  }
0x62: {  	_ = 	snop  }
0x63: {  	[tilespmem:s23], [sflag:$0x1] =	stream.indirect_vreg.gather [hbm4b:s3+s2], $0x80, v3, vm0, $0xb8;
	[tilespmem:$0x8080] =	vst v63  }
0x64: {  	_ =	swait.ge [sflag:s24], $0x8000  }
0x65: {  	p0 =	sne.s32 s6, $0x1;
	[sflag:s24] =	ssyncset.done $0x0  }
.Ltmp0:
0x66: {  	[sflag:s24] =	ssyncadd.s32 $0xFFFF8000;
	(pc) =	sbr.rel @p0 .LBB2_1-.Ltmp0, $4  }
0x67: {  	[hbm4b:s5+s2] =	stream.linear.scatter [tilespmem:s8], [sflag:$0x2], $0x8000, $0x38;
	[tilespmem:$0x8080] =	vst v63  }
0x68: {  	_ =	swait.ge [sflag:s7], $0x8000  }
0x69: {  	[sflag:s7] =	ssyncset.done $0x0  }
0x6a: {  	s6 =	sadd.s32 $0xFFFFFFFF, s6;
	[sflag:s7] =	ssyncadd.s32 $0xFFFF8000  }
0x6b: {  	_ =	sfence.sel $0x180000  }
0x6c: {  	[bflag:$0x0] =	sbarrier.arrive $0xFFFF  }
0x6d: {  	p0 =	sne.s32 s1, $0x0;
	_ =	strace $0x90000047  }
0x6e: {  	s0 =	sadd.s32 @!p0 $0x100000, s0;
	[bflag:$0x2] =	sbarrier.arrive $0xFFFF  }
0x6f: {  	[sflag:s0] =	ssyncadd.tile.s32 @!p0 $0x1;
	_ =	shalt  }
.Lfunc_end2:
_tile_overlayer_lowered:
.L_overlay_start_2:
0x70: {  	(tag) =	ssettag $0x2  }
0x71: {  	s0 =	rddreg [dreg:$0x0];
	s2 =	stileid.u32  }
0x72: {  	s1 =	rddreg [dreg:$0x1];
	p0 =	sne.s32 s2, $0x0  }
0x73: {  	s3 =	rddreg [dreg:$0x2];
	[bflag:$0x3] =	sbarrier.arrive $0xFFFF;
	s2 =	simm.s32 @!p0 $0x1C02  }
0x74: {  	[timem:s3], [sflag:s2] =	dma.local @!p0 [hbm:s0], s1  }
0x75: {  	s0 =	simm.s32 @!p0 $0x2  }
0x76: {  	_ =	swait.ge @!p0 [sflag:s0], s1  }
0x77: {  	s1 =	ssub.s32 @!p0 $0x0, s1;
	[sflag:s0] =	ssyncset.done @!p0 $0x0  }
0x78: {  	[sflag:s0] =	ssyncadd.s32 @!p0 s1  }
0x79: {  	[bflag:$0x3] =	sbarrier.arrive $0xFFFF  }
0x7a: {  	_ =	shalt  }

</sc_bundles>
